<compile_context>
chip_gen: v7x
topology: tpu7x:2x2x1
jax: 0.10.2.dev20260603
libtpu: 0.0.44.dev20260713+nightly
codegen_flags: <defaults>
</compile_context>

<pallas_src>
import functools

import jax
import jax.numpy as jnp
from jax import lax
from jax.experimental import pallas as pl
from jax.experimental.pallas import tpu as pltpu
from jax.experimental.pallas import tpu_sc as plsc

B = 128
KEY_D = 768
EMB_D = 768
POOL = 128
PLEN = 8
HPLEN = PLEN // 2
NW = 16
ROWS_PER_W = B // NW


def _score_body(x_ref, k_ref, p_ref, idx_ref, loss_ref):
    x = x_ref[...]
    K = k_ref[...]
    k_norm = jnp.sqrt(jnp.sum(K * K, axis=1, keepdims=True))
    n_K = K / jnp.maximum(k_norm, 1e-12)
    cos = lax.dot_general(x, n_K, (((1,), (1,)), ((), ())),
                          preferred_element_type=jnp.float32)
    m = jnp.max(cos, axis=1, keepdims=True)
    e = jnp.exp(cos - m)
    alpha = e / jnp.sum(e, axis=1, keepdims=True)
    p = p_ref[...].reshape(POOL, PLEN * EMB_D)
    p_a = lax.dot_general(alpha, p, (((1,), (0,)), ((), ())),
                          preferred_element_type=jnp.float32)
    r = jnp.sum(p, axis=0, keepdims=True) * jnp.float32(1.0 / POOL)
    p_c = p - r
    pa_c = p_a - r
    pk_sq = jnp.sum(p_c * p_c, axis=1, keepdims=True)
    g_t = lax.dot_general(p_c, pa_c, (((1,), (1,)), ((), ())),
                          preferred_element_type=jnp.float32,
                          precision=lax.Precision.HIGHEST)
    pa_sq = jnp.sum(pa_c * pa_c, axis=(0, 1), keepdims=True)[:1, :1]
    scores_t = pk_sq - 2.0 * g_t
    mins = jnp.min(scores_t, axis=0, keepdims=True)
    iota_k = lax.broadcasted_iota(jnp.int32, (POOL, B), 0)
    idx = jnp.min(jnp.where(scores_t == mins, iota_k, POOL),
                  axis=0, keepdims=True)
    idx_ref[...] = idx
    total = jnp.sum(mins, axis=1, keepdims=True) + pa_sq
    loss_ref[...] = (0.5 * total / jnp.float32(B * PLEN * EMB_D))[0, 0]


@functools.cache
def _make_sc_gather():
    @functools.partial(
        pl.kernel,
        mesh=plsc.VectorSubcoreMesh(core_axis_name="c", subcore_axis_name="s"),
        out_type=(
            jax.ShapeDtypeStruct((B, HPLEN, EMB_D), jnp.float32),
            jax.ShapeDtypeStruct((B, HPLEN, EMB_D), jnp.float32),
        ),
        scratch_types=[
            pltpu.VMEM((B,), jnp.int32),
            pltpu.VMEM((ROWS_PER_W, PLEN, EMB_D), jnp.float32),
            pltpu.SemaphoreType.DMA,
        ],
    )
    def _sc_gather(p_hbm, idx_hbm, ek_hbm, ev_hbm, idx_v, rows_v, sem):
        c = lax.axis_index("c")
        s = lax.axis_index("s")
        wid = s * 2 + c

        @pl.when(wid < NW)
        def _():
            base = wid * ROWS_PER_W
            pltpu.sync_copy(idx_hbm.at[0], idx_v)
            pltpu.async_copy(p_hbm.at[idx_v.at[pl.ds(base, ROWS_PER_W)]],
                             rows_v, sem).wait()
            h1 = pltpu.async_copy(rows_v.at[:, pl.ds(0, HPLEN), :],
                                  ek_hbm.at[pl.ds(base, ROWS_PER_W)], sem)
            h2 = pltpu.async_copy(rows_v.at[:, pl.ds(HPLEN, HPLEN), :],
                                  ev_hbm.at[pl.ds(base, ROWS_PER_W)], sem)
            h1.wait()
            h2.wait()

    return _sc_gather


def kernel(x_querry, l, x_block, e_p_0, e_k_0):
    idx2, loss1 = pl.pallas_call(
        _score_body,
        out_shape=(
            jax.ShapeDtypeStruct((1, B), jnp.int32),
            jax.ShapeDtypeStruct((), jnp.float32),
        ),
        out_specs=(
            pl.BlockSpec(memory_space=pltpu.MemorySpace.VMEM),
            pl.BlockSpec(memory_space=pltpu.MemorySpace.SMEM),
        ),
    )(x_querry, e_k_0, e_p_0)
    Ek, Ev = _make_sc_gather()(e_p_0, idx2)
    return (Ek, Ev, loss1, x_block)

# --- scband reference (transcript-rebuilt; emitter-appended) ---
"""Pipeline reference for scband-vqprompt-19490561589401 (READ-ONLY COPY).

The authoritative reference and input builder live on the scoring server;
editing this copy changes nothing except your own understanding.
"""

import jax, jax.numpy as jnp
import numpy as np

EMB_D = 768
KEY_D = 768
POOL = 128
PLEN = 8
SOFT_T = 1.0
B = 128
SEQ = 196
VQ_COEF = 0.4
COMIT_COEF = 0.1
E_LAYERS = [0, 1, 2, 3, 4]


def setup_inputs(seed: int = 0) -> dict:
    key = jax.random.key(seed)
    k1, k2, k3, k4 = jax.random.split(key, 4)
    x_querry = jax.random.normal(k1, (B, KEY_D), dtype=jnp.float32)
    x_block = jax.random.normal(k2, (B, SEQ, EMB_D), dtype=jnp.float32)
    # learned params for layer l=0 (tensor_prompt uses uniform init)
    e_p_0 = jax.random.uniform(k3, (POOL, PLEN, EMB_D), dtype=jnp.float32)
    e_k_0 = jax.random.uniform(k4, (POOL, KEY_D), dtype=jnp.float32)
    return {"x_querry": x_querry, "l": 0, "x_block": x_block, "e_p_0": e_p_0, "e_k_0": e_k_0}


def reference(x_querry, l, x_block, e_p_0, e_k_0):
    K = e_k_0
    p = e_p_0
    # F.normalize(K, dim=1)
    n_K = K / jnp.maximum(jnp.linalg.norm(K, axis=1, keepdims=True), 1e-12)
    cos_sim = jnp.einsum('bd,kd->bk', x_querry, n_K)
    alpha = jax.nn.softmax(cos_sim / SOFT_T, axis=1)
    p_a = jnp.einsum('bk,kld->bld', alpha, p)
    # pairwise squared distance between soft prompt and every codebook prompt
    dist = jnp.square(p_a[:, None, :, :] - p[None, :, :, :])  # [B, POOL, PLEN, EMB_D]
    idxmin = jnp.argmin(dist.sum(-1).sum(-1), axis=1)  # [B]
    quantized = jnp.take(p, idxmin, axis=0)  # gather -> [B, PLEN, EMB_D]
    e_latent_loss = jnp.mean(jnp.square(p_a - jax.lax.stop_gradient(quantized)))
    q_latent_loss = jnp.mean(jnp.square(quantized - jax.lax.stop_gradient(p_a)))
    P_ = p_a + jax.lax.stop_gradient(quantized - p_a)  # straight-through estimator
    i = PLEN // 2
    Ek = P_[:, :i, :]
    Ev = P_[:, i:, :]
    loss = VQ_COEF * e_latent_loss + COMIT_COEF * q_latent_loss + l * jnp.float32(0.0)
    return (Ek, Ev, loss, x_block)


if False:  # reference __main__ guard neutralized (emitter)
    out = reference(**setup_inputs())
    print([o.shape for o in out])

if __name__ == "__main__":
    import jax
    _d = setup_inputs()
    print(jax.jit(kernel)(*tuple(_d.values())))

</pallas_src>

<mosaic_0001>
#map = affine_map<(d0, d1) -> (0, 0, 0)>
#map1 = affine_map<(d0, d1) -> (0, 0)>
module attributes {stable_mosaic.version = 14 : i64} {
  func.func @_sc_gather(%arg0: i32, %arg1: i32, %arg2: memref<128x8x768xf32, #tpu.memory_space<hbm>>, %arg3: memref<1x128xi32, #tpu.memory_space<hbm>>, %arg4: memref<128x4x768xf32, #tpu.memory_space<hbm>>, %arg5: memref<128x4x768xf32, #tpu.memory_space<hbm>>, %arg6: memref<128xi32, #tpu.memory_space<vmem>>, %arg7: memref<8x8x768xf32, #tpu.memory_space<vmem>>, %arg8: memref<!tpu.dma_semaphore, #tpu.memory_space<semaphore_mem>>) attributes {dimension_semantics = [#tpu.dimension_semantics<core_parallel>, #tpu.dimension_semantics<subcore_parallel>], iteration_bounds = array<i64: 2, 16>, scalar_prefetch = 0 : i64, scratch_operands = 3 : i64, tpu.core_type = #tpu.core_type<sc_vector_subcore>, window_params = [{transform_indices = #map}, {transform_indices = #map1}, {transform_indices = #map}, {transform_indices = #map}]} {
    %mul3A = arith.constant 2 : i32
    %mul3A_0 = arith.muli %arg1, %mul3A : i32
    %add3A = arith.addi %mul3A_0, %arg0 : i32
    %lt3A = arith.constant 16 : i32
    %lt3A_1 = arith.cmpi slt, %add3A, %lt3A : i32
    %convert_element_type3A = arith.extui %lt3A_1 : i1 to i32
    %cond3A = arith.constant 0 : i32
    %cond3A_2 = arith.cmpi ne, %convert_element_type3A, %cond3A : i32
    scf.if %cond3A_2 {
      %mul3A_3 = arith.constant 8 : i32
      %mul3A_4 = arith.muli %add3A, %mul3A_3 : i32
      %run_scoped3A = arith.constant 0 : i32
      "tpu.region"() ({
        %run_scoped3A_69 = tpu.sem_alloc : memref<!tpu.dma_semaphore, #tpu.memory_space<semaphore_mem>>
        %dma_start3A_70 = arith.constant 0 : i32
        %dma_start3A_71 = tpu.memref_slice %arg3[%run_scoped3A, %dma_start3A_70] : memref<1x128xi32, #tpu.memory_space<hbm>> -> memref<1x128xi32, #tpu.memory_space<hbm>>
        %dma_start3A_72 = tpu.memref_squeeze %dma_start3A_71 : memref<1x128xi32, #tpu.memory_space<hbm>> -> memref<128xi32, #tpu.memory_space<hbm>>
        %dma_start3A_73 = arith.constant 0 : i32
        %dma_start3A_74 = tpu.memref_slice %arg3[%run_scoped3A, %dma_start3A_73] : memref<1x128xi32, #tpu.memory_space<hbm>> -> memref<1x128xi32, #tpu.memory_space<hbm>>
        %dma_start3A_75 = tpu.memref_squeeze %dma_start3A_74 : memref<1x128xi32, #tpu.memory_space<hbm>> -> memref<128xi32, #tpu.memory_space<hbm>>
        tpu.enqueue_dma source(%dma_start3A_75 : memref<128xi32, #tpu.memory_space<hbm>>) target(%arg6 : memref<128xi32, #tpu.memory_space<vmem>>) target_semaphore(%run_scoped3A_69 : memref<!tpu.dma_semaphore, #tpu.memory_space<semaphore_mem>>)
        %dma_wait3A_76 = arith.constant 0 : i32
        %dma_wait3A_77 = tpu.memref_slice %arg3[%run_scoped3A, %dma_wait3A_76] : memref<1x128xi32, #tpu.memory_space<hbm>> -> memref<1x128xi32, #tpu.memory_space<hbm>>
        %dma_wait3A_78 = tpu.memref_squeeze %dma_wait3A_77 : memref<1x128xi32, #tpu.memory_space<hbm>> -> memref<128xi32, #tpu.memory_space<hbm>>
        %dma_wait3A_79 = arith.constant 0 : i32
        %dma_wait3A_80 = tpu.memref_slice %arg3[%run_scoped3A, %dma_wait3A_79] : memref<1x128xi32, #tpu.memory_space<hbm>> -> memref<1x128xi32, #tpu.memory_space<hbm>>
        %dma_wait3A_81 = tpu.memref_squeeze %dma_wait3A_80 : memref<1x128xi32, #tpu.memory_space<hbm>> -> memref<128xi32, #tpu.memory_space<hbm>>
        tpu.wait_dma2 semaphore(%run_scoped3A_69 : memref<!tpu.dma_semaphore, #tpu.memory_space<semaphore_mem>>) src(%dma_wait3A_81 : memref<128xi32, #tpu.memory_space<hbm>>) dst(%arg6 : memref<128xi32, #tpu.memory_space<vmem>>)
        tpu.yield
      }) : () -> ()
      %dma_start3A = tpu.memref_slice %arg6[%mul3A_4] : memref<128xi32, #tpu.memory_space<vmem>> -> memref<8xi32, #tpu.memory_space<vmem>>
      %dma_start3A_5 = arith.constant 0 : i32
      %dma_start3A_6 = arith.constant 0 : i32
      %dma_start3A_7 = arith.constant 0 : i32
      %dma_start3A_8 = tpu.memref_slice %arg2[%dma_start3A_5, %dma_start3A_6, %dma_start3A_7] : memref<128x8x768xf32, #tpu.memory_space<hbm>> -> memref<128x8x768xf32, #tpu.memory_space<hbm>>
      tpu.enqueue_indirect_dma source(%dma_start3A_8 : memref<128x8x768xf32, #tpu.memory_space<hbm>>) target(%arg7 : memref<8x8x768xf32, #tpu.memory_space<vmem>>) offsets(%dma_start3A : memref<8xi32, #tpu.memory_space<vmem>>) semaphore(%arg8 : memref<!tpu.dma_semaphore, #tpu.memory_space<semaphore_mem>>)
      %dma_wait3A = tpu.memref_slice %arg6[%mul3A_4] : memref<128xi32, #tpu.memory_space<vmem>> -> memref<8xi32, #tpu.memory_space<vmem>>
      %dma_wait3A_9 = arith.constant 0 : i32
      %dma_wait3A_10 = arith.constant 0 : i32
      %dma_wait3A_11 = arith.constant 0 : i32
      %dma_wait3A_12 = tpu.memref_slice %arg2[%dma_wait3A_9, %dma_wait3A_10, %dma_wait3A_11] : memref<128x8x768xf32, #tpu.memory_space<hbm>> -> memref<128x8x768xf32, #tpu.memory_space<hbm>>
      tpu.wait_indirect_dma semaphore(%arg8 : memref<!tpu.dma_semaphore, #tpu.memory_space<semaphore_mem>>) src(%dma_wait3A_12 : memref<128x8x768xf32, #tpu.memory_space<hbm>>) dst(%arg7 : memref<8x8x768xf32, #tpu.memory_space<vmem>>)
      %dma_start3A_13 = arith.constant 0 : i32
      %dma_start3A_14 = arith.constant 0 : i32
      %dma_start3A_15 = arith.constant 0 : i32
      %dma_start3A_16 = tpu.memref_slice %arg7[%dma_start3A_13, %dma_start3A_14, %dma_start3A_15] : memref<8x8x768xf32, #tpu.memory_space<vmem>> -> memref<8x4x768xf32, #tpu.memory_space<vmem>>
      %dma_start3A_17 = arith.constant 0 : i32
      %dma_start3A_18 = arith.constant 0 : i32
      %dma_start3A_19 = tpu.memref_slice %arg4[%mul3A_4, %dma_start3A_17, %dma_start3A_18] : memref<128x4x768xf32, #tpu.memory_space<hbm>> -> memref<8x4x768xf32, #tpu.memory_space<hbm>>
      %dma_start3A_20 = arith.constant 0 : i32
      %dma_start3A_21 = arith.constant 0 : i32
      %dma_start3A_22 = tpu.memref_slice %arg4[%mul3A_4, %dma_start3A_20, %dma_start3A_21] : memref<128x4x768xf32, #tpu.memory_space<hbm>> -> memref<8x4x768xf32, #tpu.memory_space<hbm>>
      %dma_start3A_23 = arith.constant 0 : i32
      %dma_start3A_24 = arith.constant 0 : i32
      %dma_start3A_25 = arith.constant 0 : i32
      %dma_start3A_26 = tpu.memref_slice %arg7[%dma_start3A_23, %dma_start3A_24, %dma_start3A_25] : memref<8x8x768xf32, #tpu.memory_space<vmem>> -> memref<8x4x768xf32, #tpu.memory_space<vmem>>
      tpu.enqueue_dma source(%dma_start3A_26 : memref<8x4x768xf32, #tpu.memory_space<vmem>>) target(%dma_start3A_22 : memref<8x4x768xf32, #tpu.memory_space<hbm>>) target_semaphore(%arg8 : memref<!tpu.dma_semaphore, #tpu.memory_space<semaphore_mem>>)
      %dma_start3A_27 = arith.constant 0 : i32
      %dma_start3A_28 = arith.constant 4 : i32
      %dma_start3A_29 = arith.constant 0 : i32
      %dma_start3A_30 = tpu.memref_slice %arg7[%dma_start3A_27, %dma_start3A_28, %dma_start3A_29] : memref<8x8x768xf32, #tpu.memory_space<vmem>> -> memref<8x4x768xf32, #tpu.memory_space<vmem>>
      %dma_start3A_31 = arith.constant 0 : i32
      %dma_start3A_32 = arith.constant 0 : i32
      %dma_start3A_33 = tpu.memref_slice %arg5[%mul3A_4, %dma_start3A_31, %dma_start3A_32] : memref<128x4x768xf32, #tpu.memory_space<hbm>> -> memref<8x4x768xf32, #tpu.memory_space<hbm>>
      %dma_start3A_34 = arith.constant 0 : i32
      %dma_start3A_35 = arith.constant 0 : i32
      %dma_start3A_36 = tpu.memref_slice %arg5[%mul3A_4, %dma_start3A_34, %dma_start3A_35] : memref<128x4x768xf32, #tpu.memory_space<hbm>> -> memref<8x4x768xf32, #tpu.memory_space<hbm>>
      %dma_start3A_37 = arith.constant 0 : i32
      %dma_start3A_38 = arith.constant 4 : i32
      %dma_start3A_39 = arith.constant 0 : i32
      %dma_start3A_40 = tpu.memref_slice %arg7[%dma_start3A_37, %dma_start3A_38, %dma_start3A_39] : memref<8x8x768xf32, #tpu.memory_space<vmem>> -> memref<8x4x768xf32, #tpu.memory_space<vmem>>
      tpu.enqueue_dma source(%dma_start3A_40 : memref<8x4x768xf32, #tpu.memory_space<vmem>>) target(%dma_start3A_36 : memref<8x4x768xf32, #tpu.memory_space<hbm>>) target_semaphore(%arg8 : memref<!tpu.dma_semaphore, #tpu.memory_space<semaphore_mem>>)
      %dma_wait3A_41 = arith.constant 0 : i32
      %dma_wait3A_42 = arith.constant 0 : i32
      %dma_wait3A_43 = arith.constant 0 : i32
      %dma_wait3A_44 = tpu.memref_slice %arg7[%dma_wait3A_41, %dma_wait3A_42, %dma_wait3A_43] : memref<8x8x768xf32, #tpu.memory_space<vmem>> -> memref<8x4x768xf32, #tpu.memory_space<vmem>>
      %dma_wait3A_45 = arith.constant 0 : i32
      %dma_wait3A_46 = arith.constant 0 : i32
      %dma_wait3A_47 = tpu.memref_slice %arg4[%mul3A_4, %dma_wait3A_45, %dma_wait3A_46] : memref<128x4x768xf32, #tpu.memory_space<hbm>> -> memref<8x4x768xf32, #tpu.memory_space<hbm>>
      %dma_wait3A_48 = arith.constant 0 : i32
      %dma_wait3A_49 = arith.constant 0 : i32
      %dma_wait3A_50 = tpu.memref_slice %arg4[%mul3A_4, %dma_wait3A_48, %dma_wait3A_49] : memref<128x4x768xf32, #tpu.memory_space<hbm>> -> memref<8x4x768xf32, #tpu.memory_space<hbm>>
      %dma_wait3A_51 = arith.constant 0 : i32
      %dma_wait3A_52 = arith.constant 0 : i32
      %dma_wait3A_53 = arith.constant 0 : i32
      %dma_wait3A_54 = tpu.memref_slice %arg7[%dma_wait3A_51, %dma_wait3A_52, %dma_wait3A_53] : memref<8x8x768xf32, #tpu.memory_space<vmem>> -> memref<8x4x768xf32, #tpu.memory_space<vmem>>
      tpu.wait_dma2 semaphore(%arg8 : memref<!tpu.dma_semaphore, #tpu.memory_space<semaphore_mem>>) src(%dma_wait3A_54 : memref<8x4x768xf32, #tpu.memory_space<vmem>>) dst(%dma_wait3A_50 : memref<8x4x768xf32, #tpu.memory_space<hbm>>)
      %dma_wait3A_55 = arith.constant 0 : i32
      %dma_wait3A_56 = arith.constant 4 : i32
      %dma_wait3A_57 = arith.constant 0 : i32
      %dma_wait3A_58 = tpu.memref_slice %arg7[%dma_wait3A_55, %dma_wait3A_56, %dma_wait3A_57] : memref<8x8x768xf32, #tpu.memory_space<vmem>> -> memref<8x4x768xf32, #tpu.memory_space<vmem>>
      %dma_wait3A_59 = arith.constant 0 : i32
      %dma_wait3A_60 = arith.constant 0 : i32
      %dma_wait3A_61 = tpu.memref_slice %arg5[%mul3A_4, %dma_wait3A_59, %dma_wait3A_60] : memref<128x4x768xf32, #tpu.memory_space<hbm>> -> memref<8x4x768xf32, #tpu.memory_space<hbm>>
      %dma_wait3A_62 = arith.constant 0 : i32
      %dma_wait3A_63 = arith.constant 0 : i32
      %dma_wait3A_64 = tpu.memref_slice %arg5[%mul3A_4, %dma_wait3A_62, %dma_wait3A_63] : memref<128x4x768xf32, #tpu.memory_space<hbm>> -> memref<8x4x768xf32, #tpu.memory_space<hbm>>
      %dma_wait3A_65 = arith.constant 0 : i32
      %dma_wait3A_66 = arith.constant 4 : i32
      %dma_wait3A_67 = arith.constant 0 : i32
      %dma_wait3A_68 = tpu.memref_slice %arg7[%dma_wait3A_65, %dma_wait3A_66, %dma_wait3A_67] : memref<8x8x768xf32, #tpu.memory_space<vmem>> -> memref<8x4x768xf32, #tpu.memory_space<vmem>>
      tpu.wait_dma2 semaphore(%arg8 : memref<!tpu.dma_semaphore, #tpu.memory_space<semaphore_mem>>) src(%dma_wait3A_68 : memref<8x4x768xf32, #tpu.memory_space<vmem>>) dst(%dma_wait3A_64 : memref<8x4x768xf32, #tpu.memory_space<hbm>>)
    } else {
    }
    return
  }
}

module attributes {stable_mosaic.version = 14 : i64} {
  func.func @_score_body(%arg0: memref<128x768xf32, #tpu.memory_space<vmem>>, %arg1: memref<128x768xf32, #tpu.memory_space<vmem>>, %arg2: memref<128x8x768xf32, #tpu.memory_space<vmem>>, %arg3: memref<1x128xi32, #tpu.memory_space<vmem>>, %arg4: memref<f32, #tpu.memory_space<smem>>) attributes {dimension_semantics = [], scalar_prefetch = 0 : i64, scratch_operands = 0 : i64, tpu.core_type = #tpu.core_type<tc>} {
    %get3A = arith.constant 0 : index
    %get3A_0 = arith.constant 0 : index
    %get3A_1 = vector.load %arg0[%get3A, %get3A_0] : memref<128x768xf32, #tpu.memory_space<vmem>>, vector<128x768xf32>
    %get3A_2 = arith.constant 0 : index
    %get3A_3 = arith.constant 0 : index
    %get3A_4 = vector.load %arg1[%get3A_2, %get3A_3] : memref<128x768xf32, #tpu.memory_space<vmem>>, vector<128x768xf32>
    %mul3A = arith.mulf %get3A_4, %get3A_4 : vector<128x768xf32>
    %reduce_sum3A = arith.constant dense<0.000000e+00> : vector<128xf32>
    %reduce_sum3A_5 = vector.multi_reduction <add>, %mul3A, %reduce_sum3A [1] : vector<128x768xf32> to vector<128xf32>
    %broadcast_in_dim3A = vector.shape_cast %reduce_sum3A_5 : vector<128xf32> to vector<128x1xf32>
    %sqrt3A = math.sqrt %broadcast_in_dim3A : vector<128x1xf32>
    %max3A = arith.constant 9.99999996E-13 : f32
    %max3A_6 = vector.broadcast %max3A : f32 to vector<128x1xf32>
    %max3A_7 = arith.maximumf %sqrt3A, %max3A_6 : vector<128x1xf32>
    %div3A = vector.broadcast %max3A_7 : vector<128x1xf32> to vector<128x768xf32>
    %div3A_8 = arith.divf %get3A_4, %div3A : vector<128x768xf32>
    %dot_general3A = arith.constant dense<0.000000e+00> : vector<128x128xf32>
    %dot_general3A_9 = tpu.matmul %get3A_1, %div3A_8, %dot_general3A {dimension_numbers = #tpu.dot_dimension_numbers<[1], [1], [0], [0], [0, 0, 1, 0], [], []>, transpose_lhs_hint = false} : vector<128x768xf32>, vector<128x768xf32>, vector<128x128xf32> -> vector<128x128xf32>
    %reduce_max3A = arith.constant dense<0xFF800000> : vector<128xf32>
    %reduce_max3A_10 = vector.multi_reduction <maximumf>, %dot_general3A_9, %reduce_max3A [1] : vector<128x128xf32> to vector<128xf32>
    %broadcast_in_dim3A_11 = vector.shape_cast %reduce_max3A_10 : vector<128xf32> to vector<128x1xf32>
    %sub3A = vector.broadcast %broadcast_in_dim3A_11 : vector<128x1xf32> to vector<128x128xf32>
    %sub3A_12 = arith.subf %dot_general3A_9, %sub3A : vector<128x128xf32>
    %exp3A = math.exp %sub3A_12 : vector<128x128xf32>
    %reduce_sum3A_13 = arith.constant dense<0.000000e+00> : vector<128xf32>
    %reduce_sum3A_14 = vector.multi_reduction <add>, %exp3A, %reduce_sum3A_13 [1] : vector<128x128xf32> to vector<128xf32>
    %broadcast_in_dim3A_15 = vector.shape_cast %reduce_sum3A_14 : vector<128xf32> to vector<128x1xf32>
    %div3A_16 = vector.broadcast %broadcast_in_dim3A_15 : vector<128x1xf32> to vector<128x128xf32>
    %div3A_17 = arith.divf %exp3A, %div3A_16 : vector<128x128xf32>
    %get3A_18 = arith.constant 0 : index
    %get3A_19 = arith.constant 0 : index
    %get3A_20 = arith.constant 0 : index
    %get3A_21 = vector.load %arg2[%get3A_18, %get3A_19, %get3A_20] : memref<128x8x768xf32, #tpu.memory_space<vmem>>, vector<128x8x768xf32>
    %reshape3A = vector.shape_cast %get3A_21 : vector<128x8x768xf32> to vector<128x6144xf32>
    %dot_general3A_22 = arith.constant dense<0.000000e+00> : vector<128x6144xf32>
    %dot_general3A_23 = tpu.matmul %div3A_17, %reshape3A, %dot_general3A_22 {dimension_numbers = #tpu.dot_dimension_numbers<[1], [0], [0], [1], [0, 0, 1, 1], [], []>, transpose_lhs_hint = false} : vector<128x128xf32>, vector<128x6144xf32>, vector<128x6144xf32> -> vector<128x6144xf32>
    %reduce_sum3A_24 = arith.constant dense<0.000000e+00> : vector<6144xf32>
    %reduce_sum3A_25 = vector.multi_reduction <add>, %reshape3A, %reduce_sum3A_24 [0] : vector<128x6144xf32> to vector<6144xf32>
    %broadcast_in_dim3A_26 = vector.shape_cast %reduce_sum3A_25 : vector<6144xf32> to vector<1x6144xf32>
    %mul3A_27 = arith.constant 7.812500e-03 : f32
    %mul3A_28 = vector.broadcast %mul3A_27 : f32 to vector<1x6144xf32>
    %mul3A_29 = arith.mulf %broadcast_in_dim3A_26, %mul3A_28 : vector<1x6144xf32>
    %sub3A_30 = vector.broadcast %mul3A_29 : vector<1x6144xf32> to vector<128x6144xf32>
    %sub3A_31 = arith.subf %reshape3A, %sub3A_30 : vector<128x6144xf32>
    %sub3A_32 = vector.broadcast %mul3A_29 : vector<1x6144xf32> to vector<128x6144xf32>
    %sub3A_33 = arith.subf %dot_general3A_23, %sub3A_32 : vector<128x6144xf32>
    %mul3A_34 = arith.mulf %sub3A_31, %sub3A_31 : vector<128x6144xf32>
    %reduce_sum3A_35 = arith.constant dense<0.000000e+00> : vector<128xf32>
    %reduce_sum3A_36 = vector.multi_reduction <add>, %mul3A_34, %reduce_sum3A_35 [1] : vector<128x6144xf32> to vector<128xf32>
    %broadcast_in_dim3A_37 = vector.shape_cast %reduce_sum3A_36 : vector<128xf32> to vector<128x1xf32>
    %dot_general3A_38 = arith.constant dense<0.000000e+00> : vector<128x128xf32>
    %dot_general3A_39 = tpu.matmul %sub3A_31, %sub3A_33, %dot_general3A_38 {dimension_numbers = #tpu.dot_dimension_numbers<[1], [1], [0], [0], [0, 0, 1, 0], [], []>, precision = #tpu.contract_precision<fp32>, transpose_lhs_hint = false} : vector<128x6144xf32>, vector<128x6144xf32>, vector<128x128xf32> -> vector<128x128xf32>
    %mul3A_40 = arith.mulf %sub3A_33, %sub3A_33 : vector<128x6144xf32>
    %reduce_sum3A_41 = vector.shape_cast %mul3A_40 : vector<128x6144xf32> to vector<1x128x6144xf32>
    %reduce_sum3A_42 = arith.constant dense<0.000000e+00> : vector<1xf32>
    %reduce_sum3A_43 = vector.multi_reduction <add>, %reduce_sum3A_41, %reduce_sum3A_42 [1, 2] : vector<1x128x6144xf32> to vector<1xf32>
    %reduce_sum3A_44 = vector.shape_cast %reduce_sum3A_43 : vector<1xf32> to vector<1x1x1xf32>
    %reduce_sum3A_45 = vector.extract %reduce_sum3A_44[0, 0, 0] : f32 from vector<1x1x1xf32>
    %broadcast_in_dim3A_46 = vector.broadcast %reduce_sum3A_45 : f32 to vector<1x1xf32>
    %mul3A_47 = arith.constant 2.000000e+00 : f32
    %mul3A_48 = vector.broadcast %mul3A_47 : f32 to vector<128x128xf32>
    %mul3A_49 = arith.mulf %mul3A_48, %dot_general3A_39 : vector<128x128xf32>
    %sub3A_50 = vector.broadcast %broadcast_in_dim3A_37 : vector<128x1xf32> to vector<128x128xf32>
    %sub3A_51 = arith.subf %sub3A_50, %mul3A_49 : vector<128x128xf32>
    %reduce_min3A = arith.constant dense<0x7F800000> : vector<128xf32>
    %reduce_min3A_52 = vector.multi_reduction <minimumf>, %sub3A_51, %reduce_min3A [0] : vector<128x128xf32> to vector<128xf32>
    %broadcast_in_dim3A_53 = vector.shape_cast %reduce_min3A_52 : vector<128xf32> to vector<1x128xf32>
    %iota3A = tpu.iota {dimensions = array<i32: 0>} : vector<128x128xi32>
    %eq3A = vector.broadcast %broadcast_in_dim3A_53 : vector<1x128xf32> to vector<128x128xf32>
    %eq3A_54 = arith.cmpf oeq, %sub3A_51, %eq3A : vector<128x128xf32>
    %jit3A = arith.constant 128 : i32
    %broadcast_in_dim3A_55 = vector.broadcast %jit3A : i32 to vector<128x128xi32>
    %select_n3A = arith.select %eq3A_54, %iota3A, %broadcast_in_dim3A_55 : vector<128x128xi1>, vector<128x128xi32>
    %reduce_min3A_56 = arith.constant dense<2147483647> : vector<128xi32>
    %reduce_min3A_57 = vector.multi_reduction <minsi>, %select_n3A, %reduce_min3A_56 [0] : vector<128x128xi32> to vector<128xi32>
    %broadcast_in_dim3A_58 = vector.shape_cast %reduce_min3A_57 : vector<128xi32> to vector<1x128xi32>
    %swap3A = arith.constant 0 : index
    %swap3A_59 = arith.constant 0 : index
    %swap3A_60 = vector.load %arg3[%swap3A, %swap3A_59] : memref<1x128xi32, #tpu.memory_space<vmem>>, vector<1x128xi32>
    tpu.vector_store %arg3[%swap3A, %swap3A_59], %broadcast_in_dim3A_58 {strides = array<i32>} : memref<1x128xi32, #tpu.memory_space<vmem>>, vector<1x128xi32>,
    %reduce_sum3A_61 = arith.constant dense<0.000000e+00> : vector<1xf32>
    %reduce_sum3A_62 = vector.multi_reduction <add>, %broadcast_in_dim3A_53, %reduce_sum3A_61 [1] : vector<1x128xf32> to vector<1xf32>
    %broadcast_in_dim3A_63 = vector.shape_cast %reduce_sum3A_62 : vector<1xf32> to vector<1x1xf32>
    %add3A = arith.addf %broadcast_in_dim3A_63, %broadcast_in_dim3A_46 : vector<1x1xf32>
    %mul3A_64 = arith.constant 5.000000e-01 : f32
    %mul3A_65 = vector.broadcast %mul3A_64 : f32 to vector<1x1xf32>
    %mul3A_66 = arith.mulf %mul3A_65, %add3A : vector<1x1xf32>
    %div3A_67 = arith.constant 7.864320e+05 : f32
    %div3A_68 = vector.broadcast %div3A_67 : f32 to vector<1x1xf32>
    %div3A_69 = arith.divf %mul3A_66, %div3A_68 : vector<1x1xf32>
    %squeeze3A = vector.extract %div3A_69[0, 0] : f32 from vector<1x1xf32>
    %swap3A_70 = memref.load %arg4[] : memref<f32, #tpu.memory_space<smem>>
    memref.store %squeeze3A, %arg4[] : memref<f32, #tpu.memory_space<smem>>
    return
  }
}

</mosaic_0001>

<sc_bundles>
// kernel: kernel.4.cloned.1.call-start
scs
__scs_entry_jumppad:
0x0: {  	(pc) =	sbr.rel $0x88, $3  }
0x1: {  	(tag) =	ssettag $0x0;
	lr =	simm.s32 $0x1  }
0x2: {  	[smem:$0x3F9D] =	sst lr;
	_ =	strace $0xD0000000  }
0x3: {  	_ = 	snop  }
0x4: {  	_ = 	snop  }
0x5: {  	_ = 	snop  }
0x6: {  	_ = 	snop  }
0x7: {  	_ = 	snop  }
__scs_overlays_trampoline_lowered:
0x8: {  	[smem:$0x3FAC] =	sst s0  }
0x9: {  	[smem:$0x3FAD] =	sst s1  }
0xa: {  	[smem:$0x3FAE] =	sst s2  }
0xb: {  	[smem:$0x3FAF] =	sst s3  }
0xc: {  	[smem:$0x3FB0] =	sst s4  }
0xd: {  	[smem:$0x3FB1] =	sst s5  }
0xe: {  	[smem:$0x3FB2] =	sst s6  }
0xf: {  	[smem:$0x3FB3] =	sst s7  }
0x10: {  	[smem:$0x3FB4] =	sst s8  }
0x11: {  	[smem:$0x3FB5] =	sst s9;
	s0 =	simm.s32 @!p0 $0x0  }
0x12: {  	s1 =	sld [smem:$0x3F9B];
	s0 =	simm.s32 @p0 $0x1  }
0x13: {  	[smem:$0x3FB6] =	sst s0;
	s0 =	simm.s32 @!p1 $0x0  }
0x14: {  	s2 =	sld [smem:$0x3F9A];
	s0 =	simm.s32 @p1 $0x1  }
0x15: {  	[smem:$0x3FB7] =	sst s0;
	s0 =	simm.s32 @!p2 $0x0  }
0x16: {  	s3 =	sld [smem:$0x3FDB];
	s0 =	simm.s32 @p2 $0x1  }
0x17: {  	s4 =	simm.s32 $0x1BF5;
	[smem:$0x3FB9] =	sst s0  }
0x18: {  	s0 =	sld [smem:$0x3F9C];
	_ =	swait.ge [sflag:s4], $0x0  }
0x19: {  	s7 =	sld [smem:$0x3F9D]  }
0x1a: {  	s8 =	sadd.s32 $0xFFFFE003, lr  }
0x1b: {  	s9 =	sadd.s32 $0xFFFFFEF7, lr;
	s5 =	simm.s32 $0xFFFFFFFF;
	p2 =	slt.u32 s8, $0xFFFFF086  }
0x1c: {  	p1 =	slt.u32 s9, $0xF7A;
	s5 =	simm.s32 @!p2 $0x0  }
0x1d: {  	s5 =	simm.s32 @p1 $0x1;
	p0 =	seq.s32 s7, s2  }
0x1e: {  	s7 =	smul.u32 @!p0 $0xF7A, s2;
	p2 =	seq.s32 @!p0 s5, $0x0  }
0x1f: {  	s9 =	smul.u32 $0xF7A, s1;
	s8 =	simm.s32 @!p0 $0x1BF5;
	p2 =	por !p2, p0  }
0x20: {  	[sflag:s8] =	ssyncset.s32 @!p0 $0xFFFFF086;
	s6 =	sadd.s32 @!p0 s3, s7;
	s7 =	simm.s32 @!p0 $0x108  }
0x21: {  	s3 =	sadd.s32 s3, s9;
	s6 =	sadd.s32 @!p0 $0x88, s6;
	s7 =	simm.s32 @p2 $0x1082  }
0x22: {  	[simem:s7], [sflag:s8] =	dma.local @!p0 [hbm:s6], $0xF7A  }
0x23: {  	s9 =	sor.u32 $0xD0000000, s2;
	s6 =	simm.s32 $0x108;
	_ =	swait.ge @!p0 [sflag:s8], $0x0  }
0x24: {  	s3 =	sadd.s32 $0x88, s3;
	s6 =	simm.s32 @!p1 $0x1082;
	[sflag:s4] =	ssyncset.s32 $0xFFFFF086  }
0x25: {  	[simem:s6], [sflag:s4] =	dma.local [hbm:s3], $0xF7A  }
0x26: {  	[smem:$0x3F9D] =	sst s1;
	(tag) =	ssettag s2;
	_ =	strace s9  }
0x27: {  	s1 =	sld [smem:$0x3FAD]  }
0x28: {  	s2 =	sld [smem:$0x3FAE]  }
0x29: {  	s4 =	sld [smem:$0x3FB0]  }
0x2a: {  	p0 =	seq.s32 s5, $0x0;
	s5 =	sld [smem:$0x3FB1]  }
0x2b: {  	s6 =	sld [smem:$0x3FB2]  }
0x2c: {  	s7 =	sld [smem:$0x3FB3]  }
0x2d: {  	s3 =	simm.s32 $0x108;
	s8 =	sld [smem:$0x3FB4]  }
0x2e: {  	s3 =	simm.s32 @!p0 $0x1082;
	s9 =	sld [smem:$0x3FB5]  }
0x2f: {  	lr =	sadd.s32 s0, s3;
	s0 =	sld [smem:$0x3FAC]  }
0x30: {  	s3 =	sld [smem:$0x3FAF]  }
0x31: {  	[smem:$0x3FB8] =	sst s10  }
0x32: {  	s10 =	sld [smem:$0x3FB6];
	_ =	sdelay $0x3  }
0x33: {  	p0 =	seq.s32 s10, $0x1;
	s10 =	sld [smem:$0x3FB8];
	_ =	sdelay $0x3  }
0x34: {  	[smem:$0x3FB8] =	sst s10  }
0x35: {  	s10 =	sld [smem:$0x3FB7];
	_ =	sdelay $0x3  }
0x36: {  	p1 =	seq.s32 s10, $0x1;
	s10 =	sld [smem:$0x3FB8];
	_ =	sdelay $0x3  }
0x37: {  	[smem:$0x3FB8] =	sst s10  }
0x38: {  	s10 =	sld [smem:$0x3FB9]  }
0x39: {  	_ = 	snop;
	(pc) =	sbr.ind lr, $3  }
0x3a: {  	_ = 	snop  }
0x3b: {  	_ = 	snop  }
0x3c: {  	p2 =	seq.s32 s10, $0x1;
	s10 =	sld [smem:$0x3FB8]  }
0x3d: {  	_ =	shalt  }
0x3e: {  	_ =	shalt  }
0x3f: {  	_ =	shalt  }
0x40: {  	_ =	shalt  }
0x41: {  	_ =	shalt  }
0x42: {  	_ =	shalt  }
0x43: {  	_ =	shalt  }
0x44: {  	_ =	shalt  }
0x45: {  	_ =	shalt  }
0x46: {  	_ =	shalt  }
0x47: {  	_ =	shalt  }
0x48: {  	_ =	shalt  }
0x49: {  	_ =	shalt  }
0x4a: {  	_ =	shalt  }
0x4b: {  	_ =	shalt  }
0x4c: {  	_ =	shalt  }
0x4d: {  	_ =	shalt  }
0x4e: {  	_ =	shalt  }
0x4f: {  	_ =	shalt  }
0x50: {  	_ =	shalt  }
0x51: {  	_ =	shalt  }
0x52: {  	_ =	shalt  }
0x53: {  	_ =	shalt  }
0x54: {  	_ =	shalt  }
0x55: {  	_ =	shalt  }
0x56: {  	_ =	shalt  }
0x57: {  	_ =	shalt  }
0x58: {  	_ =	shalt  }
0x59: {  	_ =	shalt  }
0x5a: {  	_ =	shalt  }
0x5b: {  	_ =	shalt  }
0x5c: {  	_ =	shalt  }
0x5d: {  	_ =	shalt  }
0x5e: {  	_ =	shalt  }
0x5f: {  	_ =	shalt  }
0x60: {  	_ =	shalt  }
0x61: {  	_ =	shalt  }
0x62: {  	_ =	shalt  }
0x63: {  	_ =	shalt  }
0x64: {  	_ =	shalt  }
0x65: {  	_ =	shalt  }
0x66: {  	_ =	shalt  }
0x67: {  	_ =	shalt  }
0x68: {  	_ =	shalt  }
0x69: {  	_ =	shalt  }
0x6a: {  	_ =	shalt  }
0x6b: {  	_ =	shalt  }
0x6c: {  	_ =	shalt  }
0x6d: {  	_ =	shalt  }
0x6e: {  	_ =	shalt  }
0x6f: {  	_ =	shalt  }
0x70: {  	_ =	shalt  }
0x71: {  	_ =	shalt  }
0x72: {  	_ =	shalt  }
0x73: {  	_ =	shalt  }
0x74: {  	_ =	shalt  }
0x75: {  	_ =	shalt  }
0x76: {  	_ =	shalt  }
0x77: {  	_ =	shalt  }
0x78: {  	_ =	shalt  }
0x79: {  	_ =	shalt  }
0x7a: {  	_ =	shalt  }
0x7b: {  	_ =	shalt  }
0x7c: {  	_ =	shalt  }
0x7d: {  	_ =	shalt  }
0x7e: {  	_ =	shalt  }
0x7f: {  	_ =	shalt  }
0x80: {  	_ =	shalt  }
0x81: {  	_ =	shalt  }
0x82: {  	_ =	shalt  }
0x83: {  	_ =	shalt  }
0x84: {  	_ =	shalt  }
0x85: {  	_ =	shalt  }
0x86: {  	_ =	shalt  }
0x87: {  	_ =	shalt  }
.Lfunc_end0:
.L_simem_size_0:
called_computation_lowered:
.L_overlay_start_0:
0x88: {  	s2 =	sld [smem:$0x3FD9]  }
0x89: {  	s3 =	sld [smem:$0x3FFE];
	_ =	sdelay $0x1  }
0x8a: {  	s1 =	srdreg.scid  }
0x8b: {  	s0 =	sand.u32 $0x1, s1  }
0x8c: {  	s15 =	sshll.u32 s0, $0xA;
	s2 =	sadd.s32 s3, s2  }
0x8d: {  	s2 =	sadd.s32 s2, s15  }
0x8e: {  	[smem:$0x3FC4] =	sst s2  }
0x8f: {  	_ = 	snop  }
0x90: {  	s2 =	sld [smem:$0x3FD0];
	_ =	sdelay $0x2  }
0x91: {  	s4 =	simm.s32 $0xA;
	s5 =	simm.s32 $0x10;
	s16 =	sld [smem:$0x3FC7]  }
0x92: {  	[smem:s5], [sflag:s4] =	dma.local [hbm:s2], $0x1  }
0x93: {  	_ =	swait.eq [sflag:s4], $0x1  }
0x94: {  	s17 =	sld [smem:$0x10];
	[sflag:s4] =	ssyncset.done $0x0  }
0x95: {  	s18 =	sld [smem:$0x11];
	[sflag:s4] =	ssyncadd.s32 $0xFFFFFFFF  }
0x96: {  	s19 =	sld [smem:$0x13];
	(tm) =	ssettm $0x1  }
0x97: {  	s6 =	sld [smem:$0x3FFB];
	_ =	sdelay $0x3  }
0x98: {  	_ =	strace s6  }
0x99: {  	s6 =	sld [smem:$0x3FFC];
	_ =	sdelay $0x3  }
0x9a: {  	_ =	strace s6  }
0x9b: {  	s6 =	sld [smem:$0x3FFD];
	_ =	sdelay $0x3  }
0x9c: {  	_ =	strace s6  }
0x9d: {  	_ =	strace $0x8FFFFFFF  }
0x9e: {  	s20 =	sld [smem:$0x3FDB];
	_ =	sdelay $0x1  }
0x9f: {  	s7 =	simm.s32 $_scs_section_size  }
0xa0: {  	s8 =	simm.s32 $_size__tile_overlayer_lowered;
	s9 =	simm.s32 $_tile_overlayer_lowered  }
0xa1: {  	s23 =	simm.s32 $0x1BFF;
	s22 =	sshll.u32 s9, $0x1;
	s6 =	sadd.s32 s7, s20  }
0xa2: {  	s10 =	simm.s32 $0x0;
	s21 =	sshll.u32 s8, $0x1;
	s8 =	sadd.s32 s22, s6  }
0xa3: {  	[timem:s10], [sflag:s23] =	dma.local [hbm:s8], s21  }
0xa4: {  	_ =	swait.ge [sflag:s23], s21  }
0xa5: {  	s7 =	ssub.s32 $0x0, s21;
	[sflag:s23] =	ssyncset.done $0x0  }
0xa6: {  	[sflag:s23] =	ssyncadd.s32 s7;
	_ =	sdelay $0x1  }
0xa7: {  	s24 =	simm.s32 $0x1B8B  }
0xa8: {  	_ =	swait.ge [sflag:s24], $0x1  }
0xa9: {  	[sflag:s24] =	ssyncset.done $0x0  }
0xaa: {  	s25 =	simm.s32 $0x1B8E;
	[sflag:s24] =	ssyncadd.s32 $0xFFFFFFFF  }
0xab: {  	s26 =	simm.s32 $execute0_lowered;
	[smem:$0x3FD2] =	sst s25  }
0xac: {  	s7 =	sshll.u32 s26, $0x1;
	_ =	strace $0x80000046;
	[dreg:$0x1] =	wrdreg $0xFFFFFFFF  }
0xad: {  	s28 =	simm.s32 $_size_execute0_lowered;
	s6 =	sadd.s32 s6, s7;
	[dreg:$0x0] =	wrdreg $0x0  }
0xae: {  	s7 =	sshll.u32 s28, $0x1;
	[dreg:$0x2] =	wrdreg s6  }
0xaf: {  	[dreg:$0x3] =	wrdreg s7  }
0xb0: {  	[dreg:$0x4] =	wrdreg $0xC0  }
0xb1: {  	_ =	task [dreg:s10], $0x5FFFF  }
0xb2: {  	[dreg:$0x1] =	wrdreg $0xFFFFFFFF  }
0xb3: {  	[dreg:$0x0] =	wrdreg $0x60  }
0xb4: {  	[dreg:$0x2] =	wrdreg s16  }
0xb5: {  	[dreg:$0x3] =	wrdreg s19  }
0xb6: {  	[dreg:$0x4] =	wrdreg s17  }
0xb7: {  	[dreg:$0x5] =	wrdreg s18  }
0xb8: {  	[dreg:$0x6] =	wrdreg $0x9  }
0xb9: {  	_ =	task.clear_ibuf [dreg:s10], $0x7FFFF;
	_ =	strace $0x90000046  }
0xba: {  	s29 =	simm.s32 $0x9;
	_ =	strace $0x80000048  }
0xbb: {  	_ =	swait.ge [sflag:s29], $0x1  }
0xbc: {  	[sflag:s29] =	ssyncadd.s32 $0xFFFFFFFF  }
0xbd: {  	_ =	strace $0x90000048  }
0xbe: {  	_ =	sfence  }
0xbf: {  	s30 =	sld [smem:$0x0];
	_ =	sdelay $0x2  }
0xc0: {  	s31 =	sshll.u32 s1, $0xD;
	s1 =	sshrl.u32 s1, $0x2  }
0xc1: {  	s3 =	sand.u32 $0x4000, s31;
	s1 =	sadd.s32 s1, s30  }
0xc2: {  	s0 =	sor.u32 s3, s0;
	s1 =	sshll.u32 s1, $0x11  }
0xc3: {  	s0 =	sor.u32 s1, s0  }
0xc4: {  	s0 =	sadd.s32 $0x8F2B, s0  }
0xc5: {  	[sflag:s0] =	ssyncadd.remote.s32 $0x1  }
0xc6: {  	_ =	sfence.sel $0xFFFF  }
0xc7: {  	[dreg:$0x0] =	wrdreg $0xFFFFFFFF;
	(pc) =	sbr.abs _section_cstart, $3  }
0xc8: {  	[dreg:$0x1] =	wrdreg $0xFFFFFFFF  }
0xc9: {  	_ =	task.clear_ibuf [dreg:s10], $0x2FFFF;
	_ =	strace $0x9FFFFFFF  }
0xca: {  	(tm) =	ssettm $0x7FFFFFFF  }
0xcb: {  	_ =	shalt  }
tec
execute0_lowered:
.L_overlay_start_1:
0x0: {  	(tag) =	ssettag $0x1  }
0x1: {  	s3 =	stileid.u32  }
0x2: {  	s1 =	rddreg [dreg:$0x0];
	p0 =	sgt.u32 s3, $0x7  }
.Ltmp0:
0x3: {  	s2 =	rddreg [dreg:$0x1];
	(pc) =	sbr.rel @p0 .LBB2_7-.Ltmp0, $4  }
0x4: {  	s6 =	rddreg [dreg:$0x2]  }
0x5: {  	s7 =	rddreg [dreg:$0x3];
	s4 =	simm.s32 $0x0  }
0x6: {  	[smem:$0x7FF] =	sst s4  }
0x7: {  	s0 =	rddreg [dreg:$0x4];
	_ =	strace $0x80000047  }
0x8: {  	s5 =	srdreg.scid  }
0x9: {  	s8 =	sshll.u32 s3, $0x1;
	s5 =	sand.u32 $0x1, s5  }
0xa: {  	s8 =	sor.u32 s5, s8;
	s9 =	ssub.s32 $0x2, s5  }
0xb: {  	s10 =	smul.u32 $0xC00, s8;
	s11 =	sshrl.u32 s9, $0x1  }
0xc: {  	s5 =	sshll.u32 s8, $0x3;
	s31 =	ssub.s32 s9, s11  }
0xd: {  	s9 =	simm.s32 $0x2;
	s11 =	simm.s32 $0x0;
	s6 =	sadd.s32 s6, s10  }
0xe: {  	vm0 =	vmmov $0xff;
	v0 =	vlaneseq.u32;
	s7 =	sadd.s32 s7, s10;
	s8 =	smax.u32 s31, $0x1;
	s10 =	simm.s32 $0x1  }
.LBB2_2:
0xf: {  	s13 =	simm.s32 $0x0  }
0x10: {  	[tilespmem:s13], [sflag:$0x2] =	stream.linear.gather [hbm4b:s2+s13], $0x80, $0x38;
	[tilespmem:$0xC080] =	vst v63  }
0x11: {  	_ =	swait.ge [sflag:s9], $0x80  }
0x12: {  	[sflag:s9] =	ssyncset.done $0x0  }
0x13: {  	[sflag:s9] =	ssyncadd.s32 $0xFFFFFF80  }
0x14: {  	v1 =	vld.msk [tilespmem:s5+$0x0], $0xff;
	_ =	sdelay $0x4  }
0x15: {  	v1 =	vmul.u32 $0x1800, v1;
	_ =	sdelay $0x1  }
0x16: {  	v1 =	vperm.xlane v1, v0;
	_ =	sdelay $0x4  }
0x17: {  	s12 =	simm.s32 $0x80  }
0x18: {  	[tilespmem:s12], [sflag:$0x1] =	stream.indirect_vreg.gather [hbm4b:s1+s13], $0x1800, v1, vm0, $0x38;
	[tilespmem:$0xC080] =	vst v63  }
0x19: {  	_ =	swait.ge [sflag:s10], $0xC000  }
0x1a: {  	s15 =	sadd.s32 $0x0, s6;
	[sflag:s10] =	ssyncset.done $0x0  }
0x1b: {  	s14 =	simm.s32 $0x480;
	s13 =	simm.s32 $0x40;
	[sflag:s10] =	ssyncadd.s32 $0xFFFF4000  }
.LBB2_3:
0x1c: {  	[hbm4b:s15+s4] =	stream.linear.scatter [tilespmem:s12], [sflag:$0x1], $0x200, $0x38;
	[tilespmem:$0xC080] =	vst v63  }
0x1d: {  	s15 =	smov.u32 s13;
	s12 =	smov.u32 s14;
	p0 =	sne.s32 s13, $0xBC0  }
.Ltmp1:
0x1e: {  	s13 =	sadd.s32 $0x40, s13;
	(pc) =	sbr.rel @p0 .LBB2_3-.Ltmp1, $2  }
0x1f: {  	_ =	sdelay $0x2  }
0x20: {  	s14 =	sadd.s32 $0x400, s14;
	s15 =	sadd.s32 s15, s6  }
0x21: {  	[hbm4b:s15+s4] =	stream.linear.scatter [tilespmem:s12], [sflag:$0x1], $0x200, $0x38;
	[tilespmem:$0xC080] =	vst v63  }
0x22: {  	s12 =	simm.s32 $0x280  }
0x23: {  	s13 =	simm.s32 $0x40;
	s15 =	sadd.s32 $0x0, s7;
	s14 =	simm.s32 $0x680  }
.LBB2_5:
0x24: {  	[hbm4b:s15+s4] =	stream.linear.scatter [tilespmem:s12], [sflag:$0x1], $0x200, $0x38;
	[tilespmem:$0xC080] =	vst v63  }
0x25: {  	s15 =	smov.u32 s13;
	s12 =	smov.u32 s14;
	p0 =	sne.s32 s13, $0xBC0  }
.Ltmp2:
0x26: {  	s13 =	sadd.s32 $0x40, s13;
	(pc) =	sbr.rel @p0 .LBB2_5-.Ltmp2, $2  }
0x27: {  	_ =	sdelay $0x2  }
0x28: {  	s14 =	sadd.s32 $0x400, s14;
	s15 =	sadd.s32 s15, s7  }
0x29: {  	[hbm4b:s15+s4] =	stream.linear.scatter [tilespmem:s12], [sflag:$0x1], $0x200, $0x38;
	[tilespmem:$0xC080] =	vst v63  }
0x2a: {  	s11 =	sadd.s32 $0x1, s11  }
0x2b: {  	_ =	swait.ge [sflag:s10], $0x6000;
	p0 =	sne.s32 s11, s8  }
.Ltmp3:
0x2c: {  	[sflag:s10] =	ssyncset.done $0x0;
	(pc) =	sbr.rel @p0 .LBB2_2-.Ltmp3, $4  }
0x2d: {  	[sflag:s10] =	ssyncadd.s32 $0xFFFFA000  }
0x2e: {  	_ =	swait.ge [sflag:s10], $0x6000  }
0x2f: {  	[sflag:s10] =	ssyncset.done $0x0  }
0x30: {  	[sflag:s10] =	ssyncadd.s32 $0xFFFFA000  }
.LBB2_7:
0x31: {  	_ =	sfence.sel $0x180000  }
0x32: {  	[bflag:$0x0] =	sbarrier.arrive $0xFFFF  }
0x33: {  	p0 =	sne.s32 s3, $0x0;
	_ =	strace $0x90000047  }
0x34: {  	s0 =	sadd.s32 @!p0 $0x100000, s0;
	[bflag:$0x2] =	sbarrier.arrive $0xFFFF  }
0x35: {  	[sflag:s0] =	ssyncadd.tile.s32 @!p0 $0x1;
	_ =	shalt  }
.Lfunc_end2:
_tile_overlayer_lowered:
.L_overlay_start_2:
0x36: {  	(tag) =	ssettag $0x2  }
0x37: {  	s0 =	rddreg [dreg:$0x0];
	s2 =	stileid.u32  }
0x38: {  	s1 =	rddreg [dreg:$0x1];
	p0 =	sne.s32 s2, $0x0  }
0x39: {  	s3 =	rddreg [dreg:$0x2];
	[bflag:$0x3] =	sbarrier.arrive $0xFFFF;
	s2 =	simm.s32 @!p0 $0x1C02  }
0x3a: {  	[timem:s3], [sflag:s2] =	dma.local @!p0 [hbm:s0], s1  }
0x3b: {  	s0 =	simm.s32 @!p0 $0x2  }
0x3c: {  	_ =	swait.ge @!p0 [sflag:s0], s1  }
0x3d: {  	s1 =	ssub.s32 @!p0 $0x0, s1;
	[sflag:s0] =	ssyncset.done @!p0 $0x0  }
0x3e: {  	[sflag:s0] =	ssyncadd.s32 @!p0 s1  }
0x3f: {  	[bflag:$0x3] =	sbarrier.arrive $0xFFFF  }
0x40: {  	_ =	shalt  }

</sc_bundles>
